<compile_context>
chip_gen: v7x
topology: tpu7x:2x2x1
jax: 0.10.2.dev20260603
libtpu: 0.0.44.dev20260713+nightly
codegen_flags: <defaults>
</compile_context>

<pallas_src>
import functools

import jax
import jax.numpy as jnp
from jax import lax
from jax.experimental import pallas as pl
from jax.experimental.pallas import tpu as pltpu
from jax.experimental.pallas import tpu_sc as plsc

N_NODES = 10000
N_EDGES = 320000
D_FEAT = 128

SC_CORES = 2
SC_SUBCORES = 16
SC_LANES = 16
N_WORKERS = SC_CORES * SC_SUBCORES
MAIN_PER_WORKER = (N_EDGES // N_WORKERS) // 128 * 128
TAIL_BASE = N_WORKERS * MAIN_PER_WORKER
TAIL_BLOCKS = (N_EDGES - TAIL_BASE) // 128
BUF = MAIN_PER_WORKER + 128
N_PAD = 10240


def _node_table_body(h_ref, wt_ref, b_ref, out_ref):
    res = lax.dot_general(
        wt_ref[...], h_ref[...],
        dimension_numbers=(((1,), (1,)), ((), ())),
        preferred_element_type=jnp.float32,
    )
    row = lax.broadcasted_iota(jnp.int32, res.shape, 0)
    out_ref[...] = res + jnp.where(row == 0, b_ref[0], 0.0)


def _node_table(h, wt, b):
    blk = 5120
    return pl.pallas_call(
        _node_table_body,
        grid=(N_PAD // blk,),
        out_shape=jax.ShapeDtypeStruct((2, N_PAD), jnp.float32),
        in_specs=[
            pl.BlockSpec((blk, D_FEAT), lambda i: (i, 0)),
            pl.BlockSpec((2, D_FEAT), lambda i: (0, 0)),
            pl.BlockSpec(memory_space=pltpu.SMEM),
        ],
        out_specs=pl.BlockSpec((2, blk), lambda i: (0, i)),
    )(h, wt, b)


def _edge_scores(pq, edge_index):
    mesh = plsc.VectorSubcoreMesh(core_axis_name="c", subcore_axis_name="s")

    @functools.partial(
        pl.kernel,
        mesh=mesh,
        out_type=jax.ShapeDtypeStruct((N_EDGES,), jnp.float32),
        compiler_params=pltpu.CompilerParams(needs_layout_passes=False),
        scratch_types=[
            pltpu.VMEM((N_PAD,), jnp.float32),
            pltpu.VMEM((N_PAD,), jnp.float32),
            pltpu.VMEM((2, BUF), jnp.int32),
            pltpu.VMEM((BUF,), jnp.float32),
            pltpu.VMEM_SHARED((2, N_PAD), jnp.float32),
            pltpu.SemaphoreType.DMA,
            pltpu.SemaphoreType.DMA,
            pltpu.SemaphoreType.DMA,
            pltpu.SemaphoreType.DMA,
        ],
    )
    def sc_kernel(pq_hbm, ei_hbm, out_hbm, p_v, q_v, sd_v, o_v, pq_sh,
                  s0, s1, s2, s3):
        sid = lax.axis_index("s")
        wid = sid * SC_CORES + lax.axis_index("c")
        base = wid * MAIN_PER_WORKER
        tail = TAIL_BASE + wid * 128
        has_tail = wid < TAIL_BLOCKS
        c1 = pltpu.async_copy(
            ei_hbm.at[:, pl.ds(base, MAIN_PER_WORKER)],
            sd_v.at[:, pl.ds(0, MAIN_PER_WORKER)], s1)

        @pl.when(has_tail)
        def _():
            pltpu.async_copy(
                ei_hbm.at[:, pl.ds(tail, 128)],
                sd_v.at[:, pl.ds(MAIN_PER_WORKER, 128)], s2).wait()

        half = (N_PAD // 128 // 2) * 128

        @pl.when(sid == 0)
        def _():
            pltpu.sync_copy(pq_hbm.at[:, pl.ds(0, half)],
                            pq_sh.at[:, pl.ds(0, half)])

        @pl.when(sid == 1)
        def _():
            pltpu.sync_copy(pq_hbm.at[:, pl.ds(half, N_PAD - half)],
                            pq_sh.at[:, pl.ds(half, N_PAD - half)])

        plsc.subcore_barrier()
        c0 = pltpu.async_copy(pq_sh.at[0], p_v, s0)
        c3 = pltpu.async_copy(pq_sh.at[1], q_v, s3)
        c0.wait()
        c3.wait()
        c1.wait()

        def score_block(i):
            sl = pl.ds(i, SC_LANES)
            pv = plsc.load_gather(p_v, [sd_v[0, sl]])
            qv = plsc.load_gather(q_v, [sd_v[1, sl]])
            o_v[sl] = pv + qv

        plsc.parallel_loop(0, MAIN_PER_WORKER, step=SC_LANES, unroll=4)(score_block)
        pltpu.sync_copy(
            o_v.at[pl.ds(0, MAIN_PER_WORKER)],
            out_hbm.at[pl.ds(base, MAIN_PER_WORKER)])

        @pl.when(has_tail)
        def _():
            plsc.parallel_loop(MAIN_PER_WORKER, BUF, step=SC_LANES, unroll=4)(score_block)
            pltpu.sync_copy(
                o_v.at[pl.ds(MAIN_PER_WORKER, 128)],
                out_hbm.at[pl.ds(tail, 128)])

    return sc_kernel(pq, edge_index).reshape(N_EDGES, 1)


def kernel(h, edge_index, W, b):
    wt = W.reshape(2, D_FEAT)
    pq = _node_table(h, wt, b)
    return _edge_scores(pq, edge_index.astype(jnp.int32))

# --- scband reference (transcript-rebuilt; emitter-appended) ---
"""Pipeline reference for scband-edge-predictor-31662498906597 (READ-ONLY COPY).

The authoritative reference and input builder live on the scoring server;
editing this copy changes nothing except your own understanding.
"""

import jax, jax.numpy as jnp
import numpy as np

N_NODES = 10000
N_EDGES = 320000
D_FEAT = 128

def setup_inputs(seed: int = 0) -> dict:
    key = jax.random.key(seed)
    k1, k2, k3, k4 = jax.random.split(key, 4)
    h = jax.random.normal(k1, (N_NODES, D_FEAT), dtype=jnp.float32)
    edge_index = jax.random.randint(k2, (2, N_EDGES), 0, N_NODES, dtype=jnp.int64)
    # nn.Linear(2*in_feats, 1): weight [1, 2d] in torch -> store transposed [2d, 1]
    bound = 1.0 / np.sqrt(2 * D_FEAT)
    W = jax.random.uniform(k3, (2 * D_FEAT, 1), minval=-bound, maxval=bound, dtype=jnp.float32)
    b = jax.random.uniform(k4, (1,), minval=-bound, maxval=bound, dtype=jnp.float32)
    return {"h": h, "edge_index": edge_index, "W": W, "b": b}

def reference(h, edge_index, W, b):
    # DGL apply_edges: concat src and dst node features per edge, then linear score
    src = edge_index[0]
    dst = edge_index[1]
    h_src = jnp.take(h, src, axis=0)   # gather [E, d]
    h_dst = jnp.take(h, dst, axis=0)   # gather [E, d]
    x = jnp.concatenate([h_src, h_dst], axis=1)  # [E, 2d]
    score = x @ W + b                  # [E, 1]
    return score

if __name__ == "__main__":
    import jax
    _d = setup_inputs()
    print(jax.jit(kernel)(*tuple(_d.values())))

</pallas_src>

<mosaic_0001>
#map = affine_map<(d0, d1) -> (0, 0)>
#map1 = affine_map<(d0, d1) -> (0)>
module attributes {stable_mosaic.version = 14 : i64} {
  func.func @sc_kernel(%arg0: i32, %arg1: i32, %arg2: memref<2x10240xf32, #tpu.memory_space<hbm>>, %arg3: memref<2x320000xi32, #tpu.memory_space<hbm>>, %arg4: memref<320000xf32, #tpu.memory_space<hbm>>, %arg5: memref<10240xf32, #tpu.memory_space<vmem>>, %arg6: memref<10240xf32, #tpu.memory_space<vmem>>, %arg7: memref<2x10112xi32, #tpu.memory_space<vmem>>, %arg8: memref<10112xf32, #tpu.memory_space<vmem>>, %arg9: memref<2x10240xf32, #tpu.memory_space<vmem_shared>>, %arg10: memref<!tpu.dma_semaphore, #tpu.memory_space<semaphore_mem>>, %arg11: memref<!tpu.dma_semaphore, #tpu.memory_space<semaphore_mem>>, %arg12: memref<!tpu.dma_semaphore, #tpu.memory_space<semaphore_mem>>, %arg13: memref<!tpu.dma_semaphore, #tpu.memory_space<semaphore_mem>>) attributes {dimension_semantics = [#tpu.dimension_semantics<core_parallel>, #tpu.dimension_semantics<subcore_parallel>], iteration_bounds = array<i64: 2, 16>, scalar_prefetch = 0 : i64, scratch_operands = 9 : i64, tpu.core_type = #tpu.core_type<sc_vector_subcore>, window_params = [{transform_indices = #map}, {transform_indices = #map}, {transform_indices = #map1}]} {
    %mul3A = arith.constant 2 : i32
    %mul3A_0 = arith.muli %arg1, %mul3A : i32
    %add3A = arith.addi %mul3A_0, %arg0 : i32
    %mul3A_1 = arith.constant 9984 : i32
    %mul3A_2 = arith.muli %add3A, %mul3A_1 : i32
    %mul3A_3 = arith.constant 128 : i32
    %mul3A_4 = arith.muli %add3A, %mul3A_3 : i32
    %add3A_5 = arith.constant 319488 : i32
    %add3A_6 = arith.addi %add3A_5, %mul3A_4 : i32
    %lt3A = arith.constant 4 : i32
    %lt3A_7 = arith.cmpi slt, %add3A, %lt3A : i32
    %dma_start3A = arith.constant 0 : i32
    %dma_start3A_8 = arith.constant 0 : i32
    %dma_start3A_9 = tpu.memref_slice %arg7[%dma_start3A, %dma_start3A_8] : memref<2x10112xi32, #tpu.memory_space<vmem>> -> memref<2x9984xi32, #tpu.memory_space<vmem>>
    %dma_start3A_10 = arith.constant 0 : i32
    %dma_start3A_11 = tpu.memref_slice %arg3[%dma_start3A_10, %mul3A_2] : memref<2x320000xi32, #tpu.memory_space<hbm>> -> memref<2x9984xi32, #tpu.memory_space<hbm>>
    %dma_start3A_12 = arith.constant 0 : i32
    %dma_start3A_13 = arith.constant 0 : i32
    %dma_start3A_14 = tpu.memref_slice %arg7[%dma_start3A_12, %dma_start3A_13] : memref<2x10112xi32, #tpu.memory_space<vmem>> -> memref<2x9984xi32, #tpu.memory_space<vmem>>
    %dma_start3A_15 = arith.constant 0 : i32
    %dma_start3A_16 = tpu.memref_slice %arg3[%dma_start3A_15, %mul3A_2] : memref<2x320000xi32, #tpu.memory_space<hbm>> -> memref<2x9984xi32, #tpu.memory_space<hbm>>
    tpu.enqueue_dma source(%dma_start3A_16 : memref<2x9984xi32, #tpu.memory_space<hbm>>) target(%dma_start3A_14 : memref<2x9984xi32, #tpu.memory_space<vmem>>) target_semaphore(%arg11 : memref<!tpu.dma_semaphore, #tpu.memory_space<semaphore_mem>>)
    %convert_element_type3A = arith.extui %lt3A_7 : i1 to i32
    %cond3A = arith.constant 0 : i32
    %cond3A_17 = arith.cmpi ne, %convert_element_type3A, %cond3A : i32
    scf.if %cond3A_17 {
      %dma_start3A_69 = arith.constant 0 : i32
      %dma_start3A_70 = arith.constant 9984 : i32
      %dma_start3A_71 = tpu.memref_slice %arg7[%dma_start3A_69, %dma_start3A_70] : memref<2x10112xi32, #tpu.memory_space<vmem>> -> memref<2x128xi32, #tpu.memory_space<vmem>>
      %dma_start3A_72 = arith.constant 0 : i32
      %dma_start3A_73 = tpu.memref_slice %arg3[%dma_start3A_72, %add3A_6] : memref<2x320000xi32, #tpu.memory_space<hbm>> -> memref<2x128xi32, #tpu.memory_space<hbm>>
      %dma_start3A_74 = arith.constant 0 : i32
      %dma_start3A_75 = arith.constant 9984 : i32
      %dma_start3A_76 = tpu.memref_slice %arg7[%dma_start3A_74, %dma_start3A_75] : memref<2x10112xi32, #tpu.memory_space<vmem>> -> memref<2x128xi32, #tpu.memory_space<vmem>>
      %dma_start3A_77 = arith.constant 0 : i32
      %dma_start3A_78 = tpu.memref_slice %arg3[%dma_start3A_77, %add3A_6] : memref<2x320000xi32, #tpu.memory_space<hbm>> -> memref<2x128xi32, #tpu.memory_space<hbm>>
      tpu.enqueue_dma source(%dma_start3A_78 : memref<2x128xi32, #tpu.memory_space<hbm>>) target(%dma_start3A_76 : memref<2x128xi32, #tpu.memory_space<vmem>>) target_semaphore(%arg12 : memref<!tpu.dma_semaphore, #tpu.memory_space<semaphore_mem>>)
      %dma_wait3A_79 = arith.constant 0 : i32
      %dma_wait3A_80 = arith.constant 9984 : i32
      %dma_wait3A_81 = tpu.memref_slice %arg7[%dma_wait3A_79, %dma_wait3A_80] : memref<2x10112xi32, #tpu.memory_space<vmem>> -> memref<2x128xi32, #tpu.memory_space<vmem>>
      %dma_wait3A_82 = arith.constant 0 : i32
      %dma_wait3A_83 = tpu.memref_slice %arg3[%dma_wait3A_82, %add3A_6] : memref<2x320000xi32, #tpu.memory_space<hbm>> -> memref<2x128xi32, #tpu.memory_space<hbm>>
      %dma_wait3A_84 = arith.constant 0 : i32
      %dma_wait3A_85 = arith.constant 9984 : i32
      %dma_wait3A_86 = tpu.memref_slice %arg7[%dma_wait3A_84, %dma_wait3A_85] : memref<2x10112xi32, #tpu.memory_space<vmem>> -> memref<2x128xi32, #tpu.memory_space<vmem>>
      %dma_wait3A_87 = arith.constant 0 : i32
      %dma_wait3A_88 = tpu.memref_slice %arg3[%dma_wait3A_87, %add3A_6] : memref<2x320000xi32, #tpu.memory_space<hbm>> -> memref<2x128xi32, #tpu.memory_space<hbm>>
      tpu.wait_dma2 semaphore(%arg12 : memref<!tpu.dma_semaphore, #tpu.memory_space<semaphore_mem>>) src(%dma_wait3A_88 : memref<2x128xi32, #tpu.memory_space<hbm>>) dst(%dma_wait3A_86 : memref<2x128xi32, #tpu.memory_space<vmem>>)
    } else {
    }
    %eq3A = arith.constant 0 : i32
    %eq3A_18 = arith.cmpi eq, %arg1, %eq3A : i32
    %convert_element_type3A_19 = arith.extui %eq3A_18 : i1 to i32
    %cond3A_20 = arith.constant 0 : i32
    %cond3A_21 = arith.cmpi ne, %convert_element_type3A_19, %cond3A_20 : i32
    scf.if %cond3A_21 {
      "tpu.region"() ({
        %run_scoped3A = tpu.sem_alloc : memref<!tpu.dma_semaphore, #tpu.memory_space<semaphore_mem>>
        %dma_start3A_69 = arith.constant 0 : i32
        %dma_start3A_70 = arith.constant 0 : i32
        %dma_start3A_71 = tpu.memref_slice %arg9[%dma_start3A_69, %dma_start3A_70] : memref<2x10240xf32, #tpu.memory_space<vmem_shared>> -> memref<2x5120xf32, #tpu.memory_space<vmem_shared>>
        %dma_start3A_72 = arith.constant 0 : i32
        %dma_start3A_73 = arith.constant 0 : i32
        %dma_start3A_74 = tpu.memref_slice %arg2[%dma_start3A_72, %dma_start3A_73] : memref<2x10240xf32, #tpu.memory_space<hbm>> -> memref<2x5120xf32, #tpu.memory_space<hbm>>
        tpu.enqueue_dma source(%dma_start3A_74 : memref<2x5120xf32, #tpu.memory_space<hbm>>) target(%dma_start3A_71 : memref<2x5120xf32, #tpu.memory_space<vmem_shared>>) target_semaphore(%run_scoped3A : memref<!tpu.dma_semaphore, #tpu.memory_space<semaphore_mem>>)
        %dma_wait3A_75 = arith.constant 0 : i32
        %dma_wait3A_76 = arith.constant 0 : i32
        %dma_wait3A_77 = tpu.memref_slice %arg9[%dma_wait3A_75, %dma_wait3A_76] : memref<2x10240xf32, #tpu.memory_space<vmem_shared>> -> memref<2x5120xf32, #tpu.memory_space<vmem_shared>>
        %dma_wait3A_78 = arith.constant 0 : i32
        %dma_wait3A_79 = arith.constant 0 : i32
        %dma_wait3A_80 = tpu.memref_slice %arg2[%dma_wait3A_78, %dma_wait3A_79] : memref<2x10240xf32, #tpu.memory_space<hbm>> -> memref<2x5120xf32, #tpu.memory_space<hbm>>
        tpu.wait_dma2 semaphore(%run_scoped3A : memref<!tpu.dma_semaphore, #tpu.memory_space<semaphore_mem>>) src(%dma_wait3A_80 : memref<2x5120xf32, #tpu.memory_space<hbm>>) dst(%dma_wait3A_77 : memref<2x5120xf32, #tpu.memory_space<vmem_shared>>)
        tpu.yield
      }) : () -> ()
    } else {
    }
    %eq3A_22 = arith.constant 1 : i32
    %eq3A_23 = arith.cmpi eq, %arg1, %eq3A_22 : i32
    %convert_element_type3A_24 = arith.extui %eq3A_23 : i1 to i32
    %cond3A_25 = arith.constant 0 : i32
    %cond3A_26 = arith.cmpi ne, %convert_element_type3A_24, %cond3A_25 : i32
    scf.if %cond3A_26 {
      "tpu.region"() ({
        %run_scoped3A = tpu.sem_alloc : memref<!tpu.dma_semaphore, #tpu.memory_space<semaphore_mem>>
        %dma_start3A_69 = arith.constant 0 : i32
        %dma_start3A_70 = arith.constant 5120 : i32
        %dma_start3A_71 = tpu.memref_slice %arg9[%dma_start3A_69, %dma_start3A_70] : memref<2x10240xf32, #tpu.memory_space<vmem_shared>> -> memref<2x5120xf32, #tpu.memory_space<vmem_shared>>
        %dma_start3A_72 = arith.constant 0 : i32
        %dma_start3A_73 = arith.constant 5120 : i32
        %dma_start3A_74 = tpu.memref_slice %arg2[%dma_start3A_72, %dma_start3A_73] : memref<2x10240xf32, #tpu.memory_space<hbm>> -> memref<2x5120xf32, #tpu.memory_space<hbm>>
        tpu.enqueue_dma source(%dma_start3A_74 : memref<2x5120xf32, #tpu.memory_space<hbm>>) target(%dma_start3A_71 : memref<2x5120xf32, #tpu.memory_space<vmem_shared>>) target_semaphore(%run_scoped3A : memref<!tpu.dma_semaphore, #tpu.memory_space<semaphore_mem>>)
        %dma_wait3A_75 = arith.constant 0 : i32
        %dma_wait3A_76 = arith.constant 5120 : i32
        %dma_wait3A_77 = tpu.memref_slice %arg9[%dma_wait3A_75, %dma_wait3A_76] : memref<2x10240xf32, #tpu.memory_space<vmem_shared>> -> memref<2x5120xf32, #tpu.memory_space<vmem_shared>>
        %dma_wait3A_78 = arith.constant 0 : i32
        %dma_wait3A_79 = arith.constant 5120 : i32
        %dma_wait3A_80 = tpu.memref_slice %arg2[%dma_wait3A_78, %dma_wait3A_79] : memref<2x10240xf32, #tpu.memory_space<hbm>> -> memref<2x5120xf32, #tpu.memory_space<hbm>>
        tpu.wait_dma2 semaphore(%run_scoped3A : memref<!tpu.dma_semaphore, #tpu.memory_space<semaphore_mem>>) src(%dma_wait3A_80 : memref<2x5120xf32, #tpu.memory_space<hbm>>) dst(%dma_wait3A_77 : memref<2x5120xf32, #tpu.memory_space<vmem_shared>>)
        tpu.yield
      }) : () -> ()
    } else {
    }
    %barrier3A = arith.constant 0 : index
    tpu.barrier barrier_id(%barrier3A)
    %dma_start3A_27 = arith.constant 0 : i32
    %dma_start3A_28 = arith.constant 0 : i32
    %dma_start3A_29 = tpu.memref_slice %arg9[%dma_start3A_27, %dma_start3A_28] : memref<2x10240xf32, #tpu.memory_space<vmem_shared>> -> memref<1x10240xf32, #tpu.memory_space<vmem_shared>>
    %dma_start3A_30 = tpu.memref_squeeze %dma_start3A_29 : memref<1x10240xf32, #tpu.memory_space<vmem_shared>> -> memref<10240xf32, #tpu.memory_space<vmem_shared>>
    %dma_start3A_31 = arith.constant 0 : i32
    %dma_start3A_32 = tpu.memref_slice %arg9[%dma_start3A_27, %dma_start3A_31] : memref<2x10240xf32, #tpu.memory_space<vmem_shared>> -> memref<1x10240xf32, #tpu.memory_space<vmem_shared>>
    %dma_start3A_33 = tpu.memref_squeeze %dma_start3A_32 : memref<1x10240xf32, #tpu.memory_space<vmem_shared>> -> memref<10240xf32, #tpu.memory_space<vmem_shared>>
    tpu.enqueue_dma source(%dma_start3A_33 : memref<10240xf32, #tpu.memory_space<vmem_shared>>) target(%arg5 : memref<10240xf32, #tpu.memory_space<vmem>>) target_semaphore(%arg10 : memref<!tpu.dma_semaphore, #tpu.memory_space<semaphore_mem>>)
    %dma_start3A_34 = arith.constant 1 : i32
    %dma_start3A_35 = arith.constant 0 : i32
    %dma_start3A_36 = tpu.memref_slice %arg9[%dma_start3A_34, %dma_start3A_35] : memref<2x10240xf32, #tpu.memory_space<vmem_shared>> -> memref<1x10240xf32, #tpu.memory_space<vmem_shared>>
    %dma_start3A_37 = tpu.memref_squeeze %dma_start3A_36 : memref<1x10240xf32, #tpu.memory_space<vmem_shared>> -> memref<10240xf32, #tpu.memory_space<vmem_shared>>
    %dma_start3A_38 = arith.constant 0 : i32
    %dma_start3A_39 = tpu.memref_slice %arg9[%dma_start3A_34, %dma_start3A_38] : memref<2x10240xf32, #tpu.memory_space<vmem_shared>> -> memref<1x10240xf32, #tpu.memory_space<vmem_shared>>
    %dma_start3A_40 = tpu.memref_squeeze %dma_start3A_39 : memref<1x10240xf32, #tpu.memory_space<vmem_shared>> -> memref<10240xf32, #tpu.memory_space<vmem_shared>>
    tpu.enqueue_dma source(%dma_start3A_40 : memref<10240xf32, #tpu.memory_space<vmem_shared>>) target(%arg6 : memref<10240xf32, #tpu.memory_space<vmem>>) target_semaphore(%arg13 : memref<!tpu.dma_semaphore, #tpu.memory_space<semaphore_mem>>)
    %dma_wait3A = arith.constant 0 : i32
    %dma_wait3A_41 = arith.constant 0 : i32
    %dma_wait3A_42 = tpu.memref_slice %arg9[%dma_wait3A, %dma_wait3A_41] : memref<2x10240xf32, #tpu.memory_space<vmem_shared>> -> memref<1x10240xf32, #tpu.memory_space<vmem_shared>>
    %dma_wait3A_43 = tpu.memref_squeeze %dma_wait3A_42 : memref<1x10240xf32, #tpu.memory_space<vmem_shared>> -> memref<10240xf32, #tpu.memory_space<vmem_shared>>
    %dma_wait3A_44 = arith.constant 0 : i32
    %dma_wait3A_45 = tpu.memref_slice %arg9[%dma_wait3A, %dma_wait3A_44] : memref<2x10240xf32, #tpu.memory_space<vmem_shared>> -> memref<1x10240xf32, #tpu.memory_space<vmem_shared>>
    %dma_wait3A_46 = tpu.memref_squeeze %dma_wait3A_45 : memref<1x10240xf32, #tpu.memory_space<vmem_shared>> -> memref<10240xf32, #tpu.memory_space<vmem_shared>>
    tpu.wait_dma2 semaphore(%arg10 : memref<!tpu.dma_semaphore, #tpu.memory_space<semaphore_mem>>) src(%dma_wait3A_46 : memref<10240xf32, #tpu.memory_space<vmem_shared>>) dst(%arg5 : memref<10240xf32, #tpu.memory_space<vmem>>)
    %dma_wait3A_47 = arith.constant 1 : i32
    %dma_wait3A_48 = arith.constant 0 : i32
    %dma_wait3A_49 = tpu.memref_slice %arg9[%dma_wait3A_47, %dma_wait3A_48] : memref<2x10240xf32, #tpu.memory_space<vmem_shared>> -> memref<1x10240xf32, #tpu.memory_space<vmem_shared>>
    %dma_wait3A_50 = tpu.memref_squeeze %dma_wait3A_49 : memref<1x10240xf32, #tpu.memory_space<vmem_shared>> -> memref<10240xf32, #tpu.memory_space<vmem_shared>>
    %dma_wait3A_51 = arith.constant 0 : i32
    %dma_wait3A_52 = tpu.memref_slice %arg9[%dma_wait3A_47, %dma_wait3A_51] : memref<2x10240xf32, #tpu.memory_space<vmem_shared>> -> memref<1x10240xf32, #tpu.memory_space<vmem_shared>>
    %dma_wait3A_53 = tpu.memref_squeeze %dma_wait3A_52 : memref<1x10240xf32, #tpu.memory_space<vmem_shared>> -> memref<10240xf32, #tpu.memory_space<vmem_shared>>
    tpu.wait_dma2 semaphore(%arg13 : memref<!tpu.dma_semaphore, #tpu.memory_space<semaphore_mem>>) src(%dma_wait3A_53 : memref<10240xf32, #tpu.memory_space<vmem_shared>>) dst(%arg6 : memref<10240xf32, #tpu.memory_space<vmem>>)
    %dma_wait3A_54 = arith.constant 0 : i32
    %dma_wait3A_55 = arith.constant 0 : i32
    %dma_wait3A_56 = tpu.memref_slice %arg7[%dma_wait3A_54, %dma_wait3A_55] : memref<2x10112xi32, #tpu.memory_space<vmem>> -> memref<2x9984xi32, #tpu.memory_space<vmem>>
    %dma_wait3A_57 = arith.constant 0 : i32
    %dma_wait3A_58 = tpu.memref_slice %arg3[%dma_wait3A_57, %mul3A_2] : memref<2x320000xi32, #tpu.memory_space<hbm>> -> memref<2x9984xi32, #tpu.memory_space<hbm>>
    %dma_wait3A_59 = arith.constant 0 : i32
    %dma_wait3A_60 = arith.constant 0 : i32
    %dma_wait3A_61 = tpu.memref_slice %arg7[%dma_wait3A_59, %dma_wait3A_60] : memref<2x10112xi32, #tpu.memory_space<vmem>> -> memref<2x9984xi32, #tpu.memory_space<vmem>>
    %dma_wait3A_62 = arith.constant 0 : i32
    %dma_wait3A_63 = tpu.memref_slice %arg3[%dma_wait3A_62, %mul3A_2] : memref<2x320000xi32, #tpu.memory_space<hbm>> -> memref<2x9984xi32, #tpu.memory_space<hbm>>
    tpu.wait_dma2 semaphore(%arg11 : memref<!tpu.dma_semaphore, #tpu.memory_space<semaphore_mem>>) src(%dma_wait3A_63 : memref<2x9984xi32, #tpu.memory_space<hbm>>) dst(%dma_wait3A_61 : memref<2x9984xi32, #tpu.memory_space<vmem>>)
    %parallel_loop3A = arith.constant 0 : i32
    %parallel_loop3A_64 = arith.constant 9984 : i32
    %parallel_loop3A_65 = arith.constant 16 : i32
    scf.for %parallel_loop3A_69 = %parallel_loop3A to %parallel_loop3A_64 step %parallel_loop3A_65  : i32 {
      %parallel_loop3A_70 = arith.constant 0 : i32
      %parallel_loop3A_71 = arith.index_cast %parallel_loop3A_70 : i32 to index
      %parallel_loop3A_72 = arith.index_cast %parallel_loop3A_69 : i32 to index
      %parallel_loop3A_73 = tpu.vector_load %arg7[%parallel_loop3A_71, %parallel_loop3A_72] {strides = array<i32>} : memref<2x10112xi32, #tpu.memory_space<vmem>>, vector<16xi32>,
      %parallel_loop3A_74 = tpu.vector_load_idx %arg5[%parallel_loop3A_73] : memref<10240xf32, #tpu.memory_space<vmem>>[vector<16xi32>], vector<16xf32>,
      %parallel_loop3A_75 = arith.constant 1 : i32
      %parallel_loop3A_76 = arith.index_cast %parallel_loop3A_75 : i32 to index
      %parallel_loop3A_77 = arith.index_cast %parallel_loop3A_69 : i32 to index
      %parallel_loop3A_78 = tpu.vector_load %arg7[%parallel_loop3A_76, %parallel_loop3A_77] {strides = array<i32>} : memref<2x10112xi32, #tpu.memory_space<vmem>>, vector<16xi32>,
      %parallel_loop3A_79 = tpu.vector_load_idx %arg6[%parallel_loop3A_78] : memref<10240xf32, #tpu.memory_space<vmem>>[vector<16xi32>], vector<16xf32>,
      %parallel_loop3A_80 = arith.addf %parallel_loop3A_74, %parallel_loop3A_79 : vector<16xf32>
      %parallel_loop3A_81 = arith.index_cast %parallel_loop3A_69 : i32 to index
      %parallel_loop3A_82 = tpu.vector_load %arg8[%parallel_loop3A_81] {strides = array<i32>} : memref<10112xf32, #tpu.memory_space<vmem>>, vector<16xf32>,
      tpu.vector_store %arg8[%parallel_loop3A_81], %parallel_loop3A_80 {strides = array<i32>} : memref<10112xf32, #tpu.memory_space<vmem>>, vector<16xf32>,
    } {sc.loop_unroll_factor = 4 : i64, sc.parallel_access}
    "tpu.region"() ({
      %run_scoped3A = tpu.sem_alloc : memref<!tpu.dma_semaphore, #tpu.memory_space<semaphore_mem>>
      %dma_start3A_69 = arith.constant 0 : i32
      %dma_start3A_70 = tpu.memref_slice %arg8[%dma_start3A_69] : memref<10112xf32, #tpu.memory_space<vmem>> -> memref<9984xf32, #tpu.memory_space<vmem>>
      %dma_start3A_71 = tpu.memref_slice %arg4[%mul3A_2] : memref<320000xf32, #tpu.memory_space<hbm>> -> memref<9984xf32, #tpu.memory_space<hbm>>
      %dma_start3A_72 = tpu.memref_slice %arg4[%mul3A_2] : memref<320000xf32, #tpu.memory_space<hbm>> -> memref<9984xf32, #tpu.memory_space<hbm>>
      %dma_start3A_73 = arith.constant 0 : i32
      %dma_start3A_74 = tpu.memref_slice %arg8[%dma_start3A_73] : memref<10112xf32, #tpu.memory_space<vmem>> -> memref<9984xf32, #tpu.memory_space<vmem>>
      tpu.enqueue_dma source(%dma_start3A_74 : memref<9984xf32, #tpu.memory_space<vmem>>) target(%dma_start3A_72 : memref<9984xf32, #tpu.memory_space<hbm>>) target_semaphore(%run_scoped3A : memref<!tpu.dma_semaphore, #tpu.memory_space<semaphore_mem>>)
      %dma_wait3A_75 = arith.constant 0 : i32
      %dma_wait3A_76 = tpu.memref_slice %arg8[%dma_wait3A_75] : memref<10112xf32, #tpu.memory_space<vmem>> -> memref<9984xf32, #tpu.memory_space<vmem>>
      %dma_wait3A_77 = tpu.memref_slice %arg4[%mul3A_2] : memref<320000xf32, #tpu.memory_space<hbm>> -> memref<9984xf32, #tpu.memory_space<hbm>>
      %dma_wait3A_78 = tpu.memref_slice %arg4[%mul3A_2] : memref<320000xf32, #tpu.memory_space<hbm>> -> memref<9984xf32, #tpu.memory_space<hbm>>
      %dma_wait3A_79 = arith.constant 0 : i32
      %dma_wait3A_80 = tpu.memref_slice %arg8[%dma_wait3A_79] : memref<10112xf32, #tpu.memory_space<vmem>> -> memref<9984xf32, #tpu.memory_space<vmem>>
      tpu.wait_dma2 semaphore(%run_scoped3A : memref<!tpu.dma_semaphore, #tpu.memory_space<semaphore_mem>>) src(%dma_wait3A_80 : memref<9984xf32, #tpu.memory_space<vmem>>) dst(%dma_wait3A_78 : memref<9984xf32, #tpu.memory_space<hbm>>)
      tpu.yield
    }) : () -> ()
    %convert_element_type3A_66 = arith.extui %lt3A_7 : i1 to i32
    %cond3A_67 = arith.constant 0 : i32
    %cond3A_68 = arith.cmpi ne, %convert_element_type3A_66, %cond3A_67 : i32
    scf.if %cond3A_68 {
      %parallel_loop3A_69 = arith.constant 9984 : i32
      %parallel_loop3A_70 = arith.constant 10112 : i32
      %parallel_loop3A_71 = arith.constant 16 : i32
      scf.for %parallel_loop3A_72 = %parallel_loop3A_69 to %parallel_loop3A_70 step %parallel_loop3A_71  : i32 {
        %parallel_loop3A_73 = arith.constant 0 : i32
        %parallel_loop3A_74 = arith.index_cast %parallel_loop3A_73 : i32 to index
        %parallel_loop3A_75 = arith.index_cast %parallel_loop3A_72 : i32 to index
        %parallel_loop3A_76 = tpu.vector_load %arg7[%parallel_loop3A_74, %parallel_loop3A_75] {strides = array<i32>} : memref<2x10112xi32, #tpu.memory_space<vmem>>, vector<16xi32>,
        %parallel_loop3A_77 = tpu.vector_load_idx %arg5[%parallel_loop3A_76] : memref<10240xf32, #tpu.memory_space<vmem>>[vector<16xi32>], vector<16xf32>,
        %parallel_loop3A_78 = arith.constant 1 : i32
        %parallel_loop3A_79 = arith.index_cast %parallel_loop3A_78 : i32 to index
        %parallel_loop3A_80 = arith.index_cast %parallel_loop3A_72 : i32 to index
        %parallel_loop3A_81 = tpu.vector_load %arg7[%parallel_loop3A_79, %parallel_loop3A_80] {strides = array<i32>} : memref<2x10112xi32, #tpu.memory_space<vmem>>, vector<16xi32>,
        %parallel_loop3A_82 = tpu.vector_load_idx %arg6[%parallel_loop3A_81] : memref<10240xf32, #tpu.memory_space<vmem>>[vector<16xi32>], vector<16xf32>,
        %parallel_loop3A_83 = arith.addf %parallel_loop3A_77, %parallel_loop3A_82 : vector<16xf32>
        %parallel_loop3A_84 = arith.index_cast %parallel_loop3A_72 : i32 to index
        %parallel_loop3A_85 = tpu.vector_load %arg8[%parallel_loop3A_84] {strides = array<i32>} : memref<10112xf32, #tpu.memory_space<vmem>>, vector<16xf32>,
        tpu.vector_store %arg8[%parallel_loop3A_84], %parallel_loop3A_83 {strides = array<i32>} : memref<10112xf32, #tpu.memory_space<vmem>>, vector<16xf32>,
      } {sc.loop_unroll_factor = 4 : i64, sc.parallel_access}
      "tpu.region"() ({
        %run_scoped3A = tpu.sem_alloc : memref<!tpu.dma_semaphore, #tpu.memory_space<semaphore_mem>>
        %dma_start3A_72 = arith.constant 9984 : i32
        %dma_start3A_73 = tpu.memref_slice %arg8[%dma_start3A_72] : memref<10112xf32, #tpu.memory_space<vmem>> -> memref<128xf32, #tpu.memory_space<vmem>>
        %dma_start3A_74 = tpu.memref_slice %arg4[%add3A_6] : memref<320000xf32, #tpu.memory_space<hbm>> -> memref<128xf32, #tpu.memory_space<hbm>>
        %dma_start3A_75 = tpu.memref_slice %arg4[%add3A_6] : memref<320000xf32, #tpu.memory_space<hbm>> -> memref<128xf32, #tpu.memory_space<hbm>>
        %dma_start3A_76 = arith.constant 9984 : i32
        %dma_start3A_77 = tpu.memref_slice %arg8[%dma_start3A_76] : memref<10112xf32, #tpu.memory_space<vmem>> -> memref<128xf32, #tpu.memory_space<vmem>>
        tpu.enqueue_dma source(%dma_start3A_77 : memref<128xf32, #tpu.memory_space<vmem>>) target(%dma_start3A_75 : memref<128xf32, #tpu.memory_space<hbm>>) target_semaphore(%run_scoped3A : memref<!tpu.dma_semaphore, #tpu.memory_space<semaphore_mem>>)
        %dma_wait3A_78 = arith.constant 9984 : i32
        %dma_wait3A_79 = tpu.memref_slice %arg8[%dma_wait3A_78] : memref<10112xf32, #tpu.memory_space<vmem>> -> memref<128xf32, #tpu.memory_space<vmem>>
        %dma_wait3A_80 = tpu.memref_slice %arg4[%add3A_6] : memref<320000xf32, #tpu.memory_space<hbm>> -> memref<128xf32, #tpu.memory_space<hbm>>
        %dma_wait3A_81 = tpu.memref_slice %arg4[%add3A_6] : memref<320000xf32, #tpu.memory_space<hbm>> -> memref<128xf32, #tpu.memory_space<hbm>>
        %dma_wait3A_82 = arith.constant 9984 : i32
        %dma_wait3A_83 = tpu.memref_slice %arg8[%dma_wait3A_82] : memref<10112xf32, #tpu.memory_space<vmem>> -> memref<128xf32, #tpu.memory_space<vmem>>
        tpu.wait_dma2 semaphore(%run_scoped3A : memref<!tpu.dma_semaphore, #tpu.memory_space<semaphore_mem>>) src(%dma_wait3A_83 : memref<128xf32, #tpu.memory_space<vmem>>) dst(%dma_wait3A_81 : memref<128xf32, #tpu.memory_space<hbm>>)
        tpu.yield
      }) : () -> ()
    } else {
    }
    return
  }
}

module attributes {stable_mosaic.version = 14 : i64} {
  func.func @_node_table_body(%arg0: i32, %arg1: memref<5120x128xf32, #tpu.memory_space<vmem>>, %arg2: memref<2x128xf32, #tpu.memory_space<vmem>>, %arg3: memref<1xf32, #tpu.memory_space<smem>>, %arg4: memref<2x5120xf32, #tpu.memory_space<vmem>>) attributes {dimension_semantics = [#tpu.dimension_semantics<arbitrary>], iteration_bounds = array<i64: 2>, scalar_prefetch = 0 : i64, scratch_operands = 0 : i64, tpu.core_type = #tpu.core_type<tc>, window_params = [{transform_indices = @transform_0, window_bounds = array<i64: 5120, 128>}, {pipeline_mode = #tpu.pipeline_mode<synchronous>, transform_indices = @transform_1, window_bounds = array<i64: 2, 128>}, {transform_indices = @transform_2, window_bounds = array<i64: 1>}, {transform_indices = @transform_3, window_bounds = array<i64: 2, 5120>}]} {
    %get3A = arith.constant 0 : index
    %get3A_0 = arith.constant 0 : index
    %get3A_1 = vector.load %arg2[%get3A, %get3A_0] : memref<2x128xf32, #tpu.memory_space<vmem>>, vector<2x128xf32>
    %get3A_2 = arith.constant 0 : index
    %get3A_3 = arith.constant 0 : index
    %get3A_4 = vector.load %arg1[%get3A_2, %get3A_3] : memref<5120x128xf32, #tpu.memory_space<vmem>>, vector<5120x128xf32>
    %dot_general3A = arith.constant dense<0.000000e+00> : vector<2x5120xf32>
    %dot_general3A_5 = tpu.matmul %get3A_1, %get3A_4, %dot_general3A {dimension_numbers = #tpu.dot_dimension_numbers<[1], [1], [0], [0], [0, 0, 1, 0], [], []>, transpose_lhs_hint = false} : vector<2x128xf32>, vector<5120x128xf32>, vector<2x5120xf32> -> vector<2x5120xf32>
    %iota3A = tpu.iota {dimensions = array<i32: 0>} : vector<2x5120xi32>
    %eq3A = arith.constant 0 : i32
    %eq3A_6 = vector.broadcast %eq3A : i32 to vector<2x5120xi32>
    %eq3A_7 = arith.cmpi eq, %iota3A, %eq3A_6 : vector<2x5120xi32>
    %get3A_8 = arith.constant 0 : index
    %get3A_9 = memref.load %arg3[%get3A_8] : memref<1xf32, #tpu.memory_space<smem>>
    %jit3A = arith.constant 0.000000e+00 : f32
    %broadcast_in_dim3A = vector.broadcast %get3A_9 : f32 to vector<2x5120xf32>
    %broadcast_in_dim3A_10 = vector.broadcast %jit3A : f32 to vector<2x5120xf32>
    %select_n3A = arith.select %eq3A_7, %broadcast_in_dim3A, %broadcast_in_dim3A_10 : vector<2x5120xi1>, vector<2x5120xf32>
    %add3A = arith.addf %dot_general3A_5, %select_n3A : vector<2x5120xf32>
    %swap3A = arith.constant 0 : index
    %swap3A_11 = arith.constant 0 : index
    %swap3A_12 = vector.load %arg4[%swap3A, %swap3A_11] : memref<2x5120xf32, #tpu.memory_space<vmem>>, vector<2x5120xf32>
    tpu.vector_store %arg4[%swap3A, %swap3A_11], %add3A {strides = array<i32>} : memref<2x5120xf32, #tpu.memory_space<vmem>>, vector<2x5120xf32>,
    return
  }
  func.func @transform_0(%arg0: i32) -> (i32, i32) {
    %c0_i32 = arith.constant 0 : i32
    %c0_i32_0 = arith.constant 0 : i32
    return %arg0, %c0_i32 : i32, i32
  }
  func.func @transform_1(%arg0: i32) -> (i32, i32) {
    %c0_i32 = arith.constant 0 : i32
    %c0_i32_0 = arith.constant 0 : i32
    %c0_i32_1 = arith.constant 0 : i32
    return %c0_i32, %c0_i32_0 : i32, i32
  }
  func.func @transform_2(%arg0: i32) -> i32 {
    %c0_i32 = arith.constant 0 : i32
    %c0_i32_0 = arith.constant 0 : i32
    return %c0_i32 : i32
  }
  func.func @transform_3(%arg0: i32) -> (i32, i32) {
    %c0_i32 = arith.constant 0 : i32
    %c0_i32_0 = arith.constant 0 : i32
    return %c0_i32, %arg0 : i32, i32
  }
}

</mosaic_0001>

<sc_bundles>
// kernel: kernel.4.cloned.1.call-start
scs
__scs_entry_jumppad:
0x0: {  	(pc) =	sbr.rel $0x88, $3  }
0x1: {  	(tag) =	ssettag $0x0;
	lr =	simm.s32 $0x1  }
0x2: {  	[smem:$0x3F9D] =	sst lr;
	_ =	strace $0xD0000000  }
0x3: {  	_ = 	snop  }
0x4: {  	_ = 	snop  }
0x5: {  	_ = 	snop  }
0x6: {  	_ = 	snop  }
0x7: {  	_ = 	snop  }
__scs_overlays_trampoline_lowered:
0x8: {  	[smem:$0x3FAC] =	sst s0  }
0x9: {  	[smem:$0x3FAD] =	sst s1  }
0xa: {  	[smem:$0x3FAE] =	sst s2  }
0xb: {  	[smem:$0x3FAF] =	sst s3  }
0xc: {  	[smem:$0x3FB0] =	sst s4  }
0xd: {  	[smem:$0x3FB1] =	sst s5  }
0xe: {  	[smem:$0x3FB2] =	sst s6  }
0xf: {  	[smem:$0x3FB3] =	sst s7  }
0x10: {  	[smem:$0x3FB4] =	sst s8  }
0x11: {  	[smem:$0x3FB5] =	sst s9;
	s0 =	simm.s32 @!p0 $0x0  }
0x12: {  	s1 =	sld [smem:$0x3F9B];
	s0 =	simm.s32 @p0 $0x1  }
0x13: {  	[smem:$0x3FB6] =	sst s0;
	s0 =	simm.s32 @!p1 $0x0  }
0x14: {  	s2 =	sld [smem:$0x3F9A];
	s0 =	simm.s32 @p1 $0x1  }
0x15: {  	[smem:$0x3FB7] =	sst s0;
	s0 =	simm.s32 @!p2 $0x0  }
0x16: {  	s3 =	sld [smem:$0x3FDB];
	s0 =	simm.s32 @p2 $0x1  }
0x17: {  	s4 =	simm.s32 $0x1BF5;
	[smem:$0x3FB9] =	sst s0  }
0x18: {  	s0 =	sld [smem:$0x3F9C];
	_ =	swait.ge [sflag:s4], $0x0  }
0x19: {  	s7 =	sld [smem:$0x3F9D]  }
0x1a: {  	s8 =	sadd.s32 $0xFFFFE003, lr  }
0x1b: {  	s9 =	sadd.s32 $0xFFFFFEF7, lr;
	s5 =	simm.s32 $0xFFFFFFFF;
	p2 =	slt.u32 s8, $0xFFFFF086  }
0x1c: {  	p1 =	slt.u32 s9, $0xF7A;
	s5 =	simm.s32 @!p2 $0x0  }
0x1d: {  	s5 =	simm.s32 @p1 $0x1;
	p0 =	seq.s32 s7, s2  }
0x1e: {  	s7 =	smul.u32 @!p0 $0xF7A, s2;
	p2 =	seq.s32 @!p0 s5, $0x0  }
0x1f: {  	s9 =	smul.u32 $0xF7A, s1;
	s8 =	simm.s32 @!p0 $0x1BF5;
	p2 =	por !p2, p0  }
0x20: {  	[sflag:s8] =	ssyncset.s32 @!p0 $0xFFFFF086;
	s6 =	sadd.s32 @!p0 s3, s7;
	s7 =	simm.s32 @!p0 $0x108  }
0x21: {  	s3 =	sadd.s32 s3, s9;
	s6 =	sadd.s32 @!p0 $0x88, s6;
	s7 =	simm.s32 @p2 $0x1082  }
0x22: {  	[simem:s7], [sflag:s8] =	dma.local @!p0 [hbm:s6], $0xF7A  }
0x23: {  	s9 =	sor.u32 $0xD0000000, s2;
	s6 =	simm.s32 $0x108;
	_ =	swait.ge @!p0 [sflag:s8], $0x0  }
0x24: {  	s3 =	sadd.s32 $0x88, s3;
	s6 =	simm.s32 @!p1 $0x1082;
	[sflag:s4] =	ssyncset.s32 $0xFFFFF086  }
0x25: {  	[simem:s6], [sflag:s4] =	dma.local [hbm:s3], $0xF7A  }
0x26: {  	[smem:$0x3F9D] =	sst s1;
	(tag) =	ssettag s2;
	_ =	strace s9  }
0x27: {  	s1 =	sld [smem:$0x3FAD]  }
0x28: {  	s2 =	sld [smem:$0x3FAE]  }
0x29: {  	s4 =	sld [smem:$0x3FB0]  }
0x2a: {  	p0 =	seq.s32 s5, $0x0;
	s5 =	sld [smem:$0x3FB1]  }
0x2b: {  	s6 =	sld [smem:$0x3FB2]  }
0x2c: {  	s7 =	sld [smem:$0x3FB3]  }
0x2d: {  	s3 =	simm.s32 $0x108;
	s8 =	sld [smem:$0x3FB4]  }
0x2e: {  	s3 =	simm.s32 @!p0 $0x1082;
	s9 =	sld [smem:$0x3FB5]  }
0x2f: {  	lr =	sadd.s32 s0, s3;
	s0 =	sld [smem:$0x3FAC]  }
0x30: {  	s3 =	sld [smem:$0x3FAF]  }
0x31: {  	[smem:$0x3FB8] =	sst s10  }
0x32: {  	s10 =	sld [smem:$0x3FB6];
	_ =	sdelay $0x3  }
0x33: {  	p0 =	seq.s32 s10, $0x1;
	s10 =	sld [smem:$0x3FB8];
	_ =	sdelay $0x3  }
0x34: {  	[smem:$0x3FB8] =	sst s10  }
0x35: {  	s10 =	sld [smem:$0x3FB7];
	_ =	sdelay $0x3  }
0x36: {  	p1 =	seq.s32 s10, $0x1;
	s10 =	sld [smem:$0x3FB8];
	_ =	sdelay $0x3  }
0x37: {  	[smem:$0x3FB8] =	sst s10  }
0x38: {  	s10 =	sld [smem:$0x3FB9]  }
0x39: {  	_ = 	snop;
	(pc) =	sbr.ind lr, $3  }
0x3a: {  	_ = 	snop  }
0x3b: {  	_ = 	snop  }
0x3c: {  	p2 =	seq.s32 s10, $0x1;
	s10 =	sld [smem:$0x3FB8]  }
0x3d: {  	_ =	shalt  }
0x3e: {  	_ =	shalt  }
0x3f: {  	_ =	shalt  }
0x40: {  	_ =	shalt  }
0x41: {  	_ =	shalt  }
0x42: {  	_ =	shalt  }
0x43: {  	_ =	shalt  }
0x44: {  	_ =	shalt  }
0x45: {  	_ =	shalt  }
0x46: {  	_ =	shalt  }
0x47: {  	_ =	shalt  }
0x48: {  	_ =	shalt  }
0x49: {  	_ =	shalt  }
0x4a: {  	_ =	shalt  }
0x4b: {  	_ =	shalt  }
0x4c: {  	_ =	shalt  }
0x4d: {  	_ =	shalt  }
0x4e: {  	_ =	shalt  }
0x4f: {  	_ =	shalt  }
0x50: {  	_ =	shalt  }
0x51: {  	_ =	shalt  }
0x52: {  	_ =	shalt  }
0x53: {  	_ =	shalt  }
0x54: {  	_ =	shalt  }
0x55: {  	_ =	shalt  }
0x56: {  	_ =	shalt  }
0x57: {  	_ =	shalt  }
0x58: {  	_ =	shalt  }
0x59: {  	_ =	shalt  }
0x5a: {  	_ =	shalt  }
0x5b: {  	_ =	shalt  }
0x5c: {  	_ =	shalt  }
0x5d: {  	_ =	shalt  }
0x5e: {  	_ =	shalt  }
0x5f: {  	_ =	shalt  }
0x60: {  	_ =	shalt  }
0x61: {  	_ =	shalt  }
0x62: {  	_ =	shalt  }
0x63: {  	_ =	shalt  }
0x64: {  	_ =	shalt  }
0x65: {  	_ =	shalt  }
0x66: {  	_ =	shalt  }
0x67: {  	_ =	shalt  }
0x68: {  	_ =	shalt  }
0x69: {  	_ =	shalt  }
0x6a: {  	_ =	shalt  }
0x6b: {  	_ =	shalt  }
0x6c: {  	_ =	shalt  }
0x6d: {  	_ =	shalt  }
0x6e: {  	_ =	shalt  }
0x6f: {  	_ =	shalt  }
0x70: {  	_ =	shalt  }
0x71: {  	_ =	shalt  }
0x72: {  	_ =	shalt  }
0x73: {  	_ =	shalt  }
0x74: {  	_ =	shalt  }
0x75: {  	_ =	shalt  }
0x76: {  	_ =	shalt  }
0x77: {  	_ =	shalt  }
0x78: {  	_ =	shalt  }
0x79: {  	_ =	shalt  }
0x7a: {  	_ =	shalt  }
0x7b: {  	_ =	shalt  }
0x7c: {  	_ =	shalt  }
0x7d: {  	_ =	shalt  }
0x7e: {  	_ =	shalt  }
0x7f: {  	_ =	shalt  }
0x80: {  	_ =	shalt  }
0x81: {  	_ =	shalt  }
0x82: {  	_ =	shalt  }
0x83: {  	_ =	shalt  }
0x84: {  	_ =	shalt  }
0x85: {  	_ =	shalt  }
0x86: {  	_ =	shalt  }
0x87: {  	_ =	shalt  }
.Lfunc_end0:
.L_simem_size_0:
called_computation_lowered:
.L_overlay_start_0:
0x88: {  	s2 =	sld [smem:$0x3FD9]  }
0x89: {  	s3 =	sld [smem:$0x3FFE];
	_ =	sdelay $0x1  }
0x8a: {  	s1 =	srdreg.scid  }
0x8b: {  	s0 =	sand.u32 $0x1, s1  }
0x8c: {  	s17 =	sshll.u32 s0, $0xA;
	s2 =	sadd.s32 s3, s2  }
0x8d: {  	s2 =	sadd.s32 s2, s17  }
0x8e: {  	[smem:$0x3FC4] =	sst s2  }
0x8f: {  	_ = 	snop  }
0x90: {  	s2 =	sld [smem:$0x3FC8]  }
0x91: {  	s18 =	sld [smem:$0x3FD0];
	(tm) =	ssettm $0x1  }
0x92: {  	s4 =	sld [smem:$0x3FFB];
	_ =	sdelay $0x3  }
0x93: {  	_ =	strace s4  }
0x94: {  	s4 =	sld [smem:$0x3FFC];
	_ =	sdelay $0x3  }
0x95: {  	_ =	strace s4  }
0x96: {  	s4 =	sld [smem:$0x3FFD];
	_ =	sdelay $0x3  }
0x97: {  	_ =	strace s4  }
0x98: {  	_ =	strace $0x8FFFFFFF  }
0x99: {  	s19 =	sld [smem:$0x3FDB];
	_ =	sdelay $0x1  }
0x9a: {  	s5 =	simm.s32 $_scs_section_size  }
0x9b: {  	s6 =	simm.s32 $_size__tile_overlayer_lowered;
	s7 =	simm.s32 $_tile_overlayer_lowered  }
0x9c: {  	s22 =	simm.s32 $0x1BFF;
	s21 =	sshll.u32 s7, $0x1;
	s4 =	sadd.s32 s5, s19  }
0x9d: {  	s8 =	simm.s32 $0x0;
	s20 =	sshll.u32 s6, $0x1;
	s6 =	sadd.s32 s21, s4  }
0x9e: {  	[timem:s8], [sflag:s22] =	dma.local [hbm:s6], s20  }
0x9f: {  	_ =	swait.ge [sflag:s22], s20  }
0xa0: {  	s5 =	ssub.s32 $0x0, s20;
	[sflag:s22] =	ssyncset.done $0x0  }
0xa1: {  	[sflag:s22] =	ssyncadd.s32 s5;
	_ =	sdelay $0x1  }
0xa2: {  	s23 =	simm.s32 $0x1B8B  }
0xa3: {  	_ =	swait.ge [sflag:s23], $0x1  }
0xa4: {  	[sflag:s23] =	ssyncset.done $0x0  }
0xa5: {  	s25 =	simm.s32 $0x1B8E;
	s24 =	sld [smem:$0x3FFE];
	[sflag:s23] =	ssyncadd.s32 $0xFFFFFFFF  }
0xa6: {  	s26 =	simm.s32 $execute0_lowered;
	[smem:$0x3FD2] =	sst s25  }
0xa7: {  	s6 =	sshll.u32 s26, $0x1;
	_ =	strace $0x80000046;
	[dreg:$0x1] =	wrdreg $0xFFFFFFFF  }
0xa8: {  	s28 =	simm.s32 $_size_execute0_lowered;
	s4 =	sadd.s32 s4, s6;
	[dreg:$0x0] =	wrdreg $0x0  }
0xa9: {  	s6 =	sshll.u32 s28, $0x1;
	[dreg:$0x2] =	wrdreg s4  }
0xaa: {  	[dreg:$0x3] =	wrdreg s6  }
0xab: {  	[dreg:$0x4] =	wrdreg $0xC0  }
0xac: {  	_ =	task [dreg:s8], $0x5FFFF  }
0xad: {  	[dreg:$0x1] =	wrdreg $0xFFFFFFFF  }
0xae: {  	[dreg:$0x0] =	wrdreg $0x60  }
0xaf: {  	[dreg:$0x2] =	wrdreg s18  }
0xb0: {  	[dreg:$0x3] =	wrdreg s2  }
0xb1: {  	[dreg:$0x4] =	wrdreg s24  }
0xb2: {  	[dreg:$0x5] =	wrdreg $0xC6800  }
0xb3: {  	[dreg:$0x6] =	wrdreg $0x9  }
0xb4: {  	_ =	task.clear_ibuf [dreg:s8], $0x7FFFF;
	_ =	strace $0x90000046  }
0xb5: {  	s29 =	simm.s32 $0x9;
	_ =	strace $0x80000048  }
0xb6: {  	_ =	swait.ge [sflag:s29], $0x1  }
0xb7: {  	[sflag:s29] =	ssyncadd.s32 $0xFFFFFFFF  }
0xb8: {  	_ =	strace $0x90000048  }
0xb9: {  	_ =	sfence  }
0xba: {  	s30 =	sld [smem:$0x0];
	_ =	sdelay $0x2  }
0xbb: {  	s31 =	sshll.u32 s1, $0xD;
	s1 =	sshrl.u32 s1, $0x2  }
0xbc: {  	s3 =	sand.u32 $0x4000, s31;
	s1 =	sadd.s32 s1, s30  }
0xbd: {  	s0 =	sor.u32 s3, s0;
	s1 =	sshll.u32 s1, $0x11  }
0xbe: {  	s0 =	sor.u32 s1, s0  }
0xbf: {  	s0 =	sadd.s32 $0x8F2B, s0  }
0xc0: {  	[sflag:s0] =	ssyncadd.remote.s32 $0x1  }
0xc1: {  	_ =	sfence.sel $0xFFFF  }
0xc2: {  	[dreg:$0x0] =	wrdreg $0xFFFFFFFF;
	(pc) =	sbr.abs _section_cstart, $3  }
0xc3: {  	[dreg:$0x1] =	wrdreg $0xFFFFFFFF  }
0xc4: {  	_ =	task.clear_ibuf [dreg:s8], $0x2FFFF;
	_ =	strace $0x9FFFFFFF  }
0xc5: {  	(tm) =	ssettm $0x7FFFFFFF  }
tec
execute0_lowered:
.L_overlay_start_1:
0x0: {  	(tag) =	ssettag $0x1  }
0x1: {  	s1 =	rddreg [dreg:$0x0]  }
0x2: {  	s0 =	rddreg [dreg:$0x1]  }
0x3: {  	s4 =	rddreg [dreg:$0x2]  }
0x4: {  	s2 =	rddreg [dreg:$0x3];
	s5 =	srdreg.scid  }
0x5: {  	s23 =	stileid.u32;
	s3 =	simm.s32 $0x0;
	s14 =	simm.s32 $0x5  }
0x6: {  	s15 =	simm.s32 $0x80;
	s16 =	simm.s32 $0x100;
	s17 =	simm.s32 $0x2800  }
0x7: {  	s18 =	simm.s32 $0x1;
	s19 =	simm.s32 $0x4;
	s20 =	simm.s32 $0x2  }
0x8: {  	s21 =	simm.s32 $0x9F00;
	s24 =	simm.s32 $0x0;
	s5 =	sand.u32 $0x1, s5  }
0x9: {  	s6 =	sshll.u32 s23, $0x1;
	[smem:$0x7FF] =	sst s3;
	s10 =	sadd.s32 $0xA00, s4  }
0xa: {  	s1 =	sadd.s32 $0x500, s1;
	s12 =	sadd.s32 $0x2800, s2;
	p0 =	sgt.u32 s23, $0x1  }
0xb: {  	p1 =	seq.s32 s23, $0x1;
	p2 =	sne.s32 s23, $0x0;
	s6 =	sor.u32 s5, s6  }
0xc: {  	_ =	strace $0x80000047;
	s5 =	ssub.s32 $0x2, s5;
	s9 =	smul.u32 $0x9C0, s6  }
0xd: {  	[dreg:$0x5] =	wrdreg s1;
	s31 =	sshrl.u32 s12, $0x3;
	s28 =	smul.u32 $0x4E0, s6  }
.Ltmp0:
0xe: {  	s7 =	sshll.u32 s6, $0x7;
	s8 =	sshrl.u32 s5, $0x1;
	(pc) =	sbr.rel .LBB2_1-.Ltmp0, $4  }
0xf: {  	[dreg:$0x7] =	wrdreg s31;
	s7 =	sor.u32 $0x4E000, s7;
	s11 =	ssub.s32 s5, s8  }
0x10: {  	s26 =	sshrl.u32 s7, $0x2;
	s4 =	sadd.s32 s0, s9;
	s29 =	sshrl.u32 s7, $0x3  }
0x11: {  	s7 =	sadd.s32 $0x80, s2;
	s8 =	sadd.s32 s10, s28;
	s30 =	sadd.s32 s10, s29  }
0x12: {  	s5 =	sadd.s32 s0, s26;
	s10 =	smax.u32 s11, $0x1;
	[dreg:$0x6] =	wrdreg s30  }
.LBB2_11:
0x13: {  	_ =	sdelay $0x3  }
0x14: {  	v4 =	vld.idx.msk [tilespmem:v4+s3+$0x0], $0xffff  }
0x15: {  	v1 =	vld.idx.msk [tilespmem:v1+s17+$0x0], $0xffff;
	_ =	sdelay $0x1  }
0x16: {  	v6 =	vadd.f32 v7, v6  }
0x17: {  	s0 =	sand.u32 $0x3FFFFF80, s26;
	v2 =	vadd.f32 v5, v2  }
0x18: {  	v0 =	vadd.f32 v3, v0;
	s0 =	sadd.s32 s25, s0;
	[tilespmem:s25+$0xC600] =	vst v6  }
0x19: {  	[tilespmem:s0+$0x9F10] =	vst v2;
	v1 =	vadd.f32 v1, v4  }
0x1a: {  	[tilespmem:s0+$0x9F20] =	vst v0  }
0x1b: {  	[tilespmem:s0+$0x9F30] =	vst v1  }
0x1c: {  	s1 =	simm.s32 $0xC600;
	s0 =	rddreg [dreg:$0x6]  }
0x1d: {  	[hbm4b:s0+s3] =	stream.linear.scatter [tilespmem:s1], [sflag:$0x5], $0x80, $0x38;
	[tilespmem:$0xCB80] =	vst v63  }
0x1e: {  	_ =	swait.ge [sflag:s14], $0x80  }
0x1f: {  	[sflag:s14] =	ssyncset.done $0x0  }
0x20: {  	[sflag:s14] =	ssyncadd.s32 $0xFFFFFF80  }
.LBB2_12:
0x21: {  	s24 =	sadd.s32 $0x1, s24  }
0x22: {  	p3 =	sne.s32 s24, s10  }
.Ltmp1:
0x23: {  	_ = 	snop;
	(pc) =	sbr.rel @!p3 .LBB2_13-.Ltmp1, $1  }
0x24: {  	_ =	sdelay $0x3  }
.LBB2_1:
0x25: {  	s0 =	simm.s32 $0x5000  }
0x26: {  	[tilespmem:s0], [sflag:$0x2] =	stream.linear.gather [hbm4b:s4+s3], $0x4E00, $0x38;
	[tilespmem:$0xCB80] =	vst v63  }
0x27: {  	s25 =	simm.s32 @!p0 $0x9E00;
	s0 =	simm.s32 @!p0 $0x0  }
0x28: {  	[tilespmem:s25], [sflag:$0x3] =	stream.linear.gather @!p0 [hbm4b:s5+s0], $0x100, $0x38;
	[tilespmem:$0xCB80] =	vst v63  }
.Ltmp2:
0x29: {  	_ = 	snop;
	(pc) =	sbr.rel @p1 .LBB2_4-.Ltmp2, $4  }
0x2a: {  	s0 =	simm.s32 @!p0 $0x3  }
0x2b: {  	_ =	swait.ge @!p0 [sflag:s0], $0x100  }
0x2c: {  	[sflag:s0] =	ssyncset.done @!p0 $0x0  }
0x2d: {  	[sflag:s0] =	ssyncadd.s32 @!p0 $0xFFFFFF00  }
.Ltmp3:
0x2e: {  	(pc) =	sbr.rel @p2 .LBB2_6-.Ltmp3, $1  }
0x2f: {  	_ =	sdelay $0x3  }
.Ltmp4:
0x30: {  	(pc) =	sbr.rel .LBB2_5-.Ltmp4, $3  }
0x31: {  	_ =	sdelay $0x1  }
0x32: {  	s0 =	sshrl.u32 s2, $0x3;
	s1 =	rddreg [dreg:$0x0];
	s6 =	simm.s32 $0x1C05  }
0x33: {  	[spmem:s0], [sflag:s6] =	dma.local [hbm:s1], $0x500  }
.LBB2_4:
0x34: {  	s0 =	rddreg [dreg:$0x5]  }
0x35: {  	s1 =	rddreg [dreg:$0x7];
	s6 =	simm.s32 $0x1C45  }
0x36: {  	[spmem:s1], [sflag:s6] =	dma.local [hbm:s0], $0x500  }
.LBB2_5:
0x37: {  	_ =	swait.ge [sflag:s14], $0x500  }
0x38: {  	[sflag:s14] =	ssyncset.done $0x0  }
0x39: {  	[sflag:s14] =	ssyncadd.s32 $0xFFFFFB00  }
.LBB2_6:
0x3a: {  	[bflag:$0x0] =	sbarrier.arrive $0xFFFF;
	s0 =	simm.s32 $0x0  }
0x3b: {  	[tilespmem:s0], [sflag:$0x1] =	stream.strided.gather [spmem:s2], $0x2800, s16, s15, $0x38;
	[tilespmem:$0xCB80] =	vst v63  }
0x3c: {  	_ = 	snop  }
0x3d: {  	[tilespmem:s17], [sflag:$0x4] =	stream.strided.gather [spmem:s7], $0x2800, s16, s15, $0x38;
	[tilespmem:$0xCB80] =	vst v63  }
0x3e: {  	_ =	swait.ge [sflag:s18], $0x2800  }
0x3f: {  	[sflag:s18] =	ssyncset.done $0x0  }
0x40: {  	[sflag:s18] =	ssyncadd.s32 $0xFFFFD800  }
0x41: {  	_ =	swait.ge [sflag:s19], $0x2800  }
0x42: {  	[sflag:s19] =	ssyncset.done $0x0  }
0x43: {  	s31 =	simm.s32 $0x0;
	[sflag:s19] =	ssyncadd.s32 $0xFFFFD800  }
0x44: {  	s25 =	sand.u32 $0x40, s31;
	s0 =	sand.u32 $0x7F00, s0;
	_ =	swait.ge [sflag:s20], $0x4E00  }
0x45: {  	s0 =	sadd.s32 $0x5000, s0;
	s1 =	sor.u32 $0x30, s25;
	[sflag:s20] =	ssyncset.done $0x0  }
0x46: {  	s26 =	sor.u32 s1, s0;
	[sflag:s20] =	ssyncadd.s32 $0xFFFFB200  }
0x47: {  	s13 =	sor.u32 $0x10, s25;
	v0 =	vld [tilespmem:s26+$0x0]  }
0x48: {  	s28 =	sor.u32 s13, s0;
	v1 =	vld [tilespmem:s26+$0x80]  }
0x49: {  	s23 =	sor.u32 $0x20, s25;
	v2 =	vld [tilespmem:s28+$0x0]  }
0x4a: {  	s6 =	sor.u32 s23, s0;
	v3 =	vld [tilespmem:s28+$0x80]  }
0x4b: {  	s0 =	sor.u32 s25, s0;
	s25 =	simm.s32 $0x40;
	v4 =	vld [tilespmem:s6+$0x0];
	s26 =	simm.s32 $0x80  }
0x4c: {  	s9 =	sand.u32 $0x40, s25;
	v5 =	vld [tilespmem:s6+$0x80];
	s28 =	sand.u32 $0x7F00, s26  }
0x4d: {  	s29 =	sor.u32 $0x30, s9;
	v6 =	vld [tilespmem:s0+$0x0];
	s22 =	sadd.s32 $0x5000, s28  }
0x4e: {  	v7 =	vld [tilespmem:s0+$0x80];
	s28 =	sor.u32 s29, s22  }
0x4f: {  	s30 =	sor.u32 $0x10, s9;
	v11 =	vld [tilespmem:s28+$0x0]  }
0x50: {  	s6 =	sor.u32 s30, s22;
	v12 =	vld [tilespmem:s28+$0x80]  }
0x51: {  	v13 =	vld [tilespmem:s6+$0x0]  }
0x52: {  	v14 =	vld [tilespmem:s6+$0x80]  }
0x53: {  	v8 =	vld.idx.msk [tilespmem:v0+s3+$0x0], $0xffff  }
0x54: {  	v9 =	vld.idx.msk [tilespmem:v1+s17+$0x0], $0xffff  }
0x55: {  	v10 =	vld.idx.msk [tilespmem:v2+s3+$0x0], $0xffff  }
0x56: {  	v3 =	vld.idx.msk [tilespmem:v3+s17+$0x0], $0xffff  }
0x57: {  	v4 =	vld.idx.msk [tilespmem:v4+s3+$0x0], $0xffff  }
0x58: {  	v5 =	vld.idx.msk [tilespmem:v5+s17+$0x0], $0xffff  }
0x59: {  	s28 =	sor.u32 $0x20, s9;
	v6 =	vld.idx.msk [tilespmem:v6+s3+$0x0], $0xffff  }
0x5a: {  	s12 =	sor.u32 s28, s22;
	v7 =	vld.idx.msk [tilespmem:v7+s17+$0x0], $0xffff  }
0x5b: {  	v1 =	vld [tilespmem:s12+$0x0]  }
0x5c: {  	s11 =	sand.u32 $0x3F80, s31;
	s0 =	sor.u32 s9, s22;
	v0 =	vld [tilespmem:s12+$0x80]  }
0x5d: {  	s6 =	sadd.s32 $0x9F00, s11;
	v2 =	vld [tilespmem:s0+$0x0];
	v8 =	vadd.f32 v9, v8  }
0x5e: {  	s1 =	sor.u32 s1, s6;
	v63 =	vadd.f32 v3, v10;
	v3 =	vld [tilespmem:s0+$0x80]  }
0x5f: {  	s22 =	sor.u32 s13, s6;
	v4 =	vadd.f32 v5, v4;
	v5 =	vld.idx.msk [tilespmem:v11+s3+$0x0], $0xffff;
	[tilespmem:s1+$0x0] =	vst v8  }
0x60: {  	s23 =	sor.u32 s23, s6;
	v6 =	vadd.f32 v7, v6;
	v7 =	vld.idx.msk [tilespmem:v12+s17+$0x0], $0xffff;
	[tilespmem:s22+$0x0] =	vst v63  }
0x61: {  	s31 =	simm.s32 $0x9F00;
	[tilespmem:s23+$0x0] =	vst v4;
	v4 =	vld.idx.msk [tilespmem:v13+s3+$0x0], $0xffff  }
0x62: {  	s0 =	simm.s32 $0x40;
	[tilespmem:s31+$0x0] =	vst v6;
	v6 =	vld.idx.msk [tilespmem:v14+s17+$0x0], $0xffff  }
.LBB2_7:
0x63: {  	s25 =	sadd.s32 $0x40, s25;
	v1 =	vld.idx.msk [tilespmem:v1+s3+$0x0], $0xffff;
	s26 =	sadd.s32 $0x80, s26  }
0x64: {  	s1 =	sand.u32 $0x40, s25;
	s6 =	sand.u32 $0x7F00, s26;
	p3 =	slt.u32 s25, $0x26C0;
	v0 =	vld.idx.msk [tilespmem:v0+s17+$0x0], $0xffff  }
0x65: {  	s0 =	sand.u32 $0x3F80, s0;
	s6 =	sadd.s32 $0x5000, s6;
	s12 =	sor.u32 $0x30, s1;
	v2 =	vld.idx.msk [tilespmem:v2+s3+$0x0], $0xffff  }
0x66: {  	s0 =	sadd.s32 $0x9F00, s0;
	s13 =	sor.u32 $0x10, s1;
	v5 =	vadd.f32 v7, v5;
	s22 =	sor.u32 s12, s6;
	v3 =	vld.idx.msk [tilespmem:v3+s17+$0x0], $0xffff  }
0x67: {  	s11 =	sor.u32 $0x20, s1;
	s29 =	sor.u32 s29, s0;
	s23 =	sor.u32 s13, s6;
	v7 =	vld [tilespmem:s22+$0x0]  }
0x68: {  	s1 =	sor.u32 s1, s6;
	s6 =	sor.u32 s11, s6;
	v4 =	vadd.f32 v6, v4;
	v8 =	vld [tilespmem:s22+$0x80];
	s22 =	sor.u32 s30, s0;
	[tilespmem:s29+$0x0] =	vst v5  }
0x69: {  	s9 =	sor.u32 s28, s0;
	s0 =	smov.u32 s25;
	s29 =	smov.u32 s12;
	v6 =	vld [tilespmem:s23+$0x0]  }
0x6a: {  	s28 =	smov.u32 s11;
	s30 =	smov.u32 s13;
	v9 =	vld [tilespmem:s23+$0x80];
	[tilespmem:s22+$0x0] =	vst v4;
	v4 =	vadd.f32 v0, v1  }
0x6b: {  	v1 =	vld [tilespmem:s6+$0x0]  }
0x6c: {  	v5 =	vadd.f32 v3, v2;
	v0 =	vld [tilespmem:s6+$0x80];
	[tilespmem:s9+$0x0] =	vst v4  }
0x6d: {  	s31 =	sadd.s32 $0x40, s31;
	v2 =	vld [tilespmem:s1+$0x0]  }
.Ltmp5:
0x6e: {  	v3 =	vld [tilespmem:s1+$0x80];
	[tilespmem:s31+$0x0] =	vst v5;
	(pc) =	sbr.rel @p3 .LBB2_7-.Ltmp5, $4  }
0x6f: {  	v5 =	vld.idx.msk [tilespmem:v7+s3+$0x0], $0xffff  }
0x70: {  	v7 =	vld.idx.msk [tilespmem:v8+s17+$0x0], $0xffff  }
0x71: {  	v4 =	vld.idx.msk [tilespmem:v6+s3+$0x0], $0xffff  }
0x72: {  	v6 =	vld.idx.msk [tilespmem:v9+s17+$0x0], $0xffff  }
0x73: {  	_ =	sdelay $0x3  }
0x74: {  	v1 =	vld.idx.msk [tilespmem:v1+s3+$0x0], $0xffff  }
0x75: {  	v0 =	vld.idx.msk [tilespmem:v0+s17+$0x0], $0xffff  }
0x76: {  	v2 =	vld.idx.msk [tilespmem:v2+s3+$0x0], $0xffff  }
0x77: {  	v3 =	vld.idx.msk [tilespmem:v3+s17+$0x0], $0xffff  }
0x78: {  	s0 =	sand.u32 $0x3F80, s0  }
0x79: {  	s0 =	sadd.s32 $0x9F00, s0;
	v5 =	vadd.f32 v7, v5  }
0x7a: {  	s1 =	sor.u32 s29, s0;
	v4 =	vadd.f32 v6, v4  }
0x7b: {  	s6 =	sor.u32 s30, s0;
	[tilespmem:s1+$0x0] =	vst v5;
	v0 =	vadd.f32 v0, v1  }
0x7c: {  	s0 =	sor.u32 s28, s0;
	v63 =	vadd.f32 v3, v2;
	[tilespmem:s6+$0x0] =	vst v4  }
0x7d: {  	s30 =	sadd.s32 $0x40, s31;
	[tilespmem:s0+$0x0] =	vst v0  }
.Ltmp6:
0x7e: {  	s31 =	simm.s32 $0x0;
	[tilespmem:s30+$0x0] =	vst v63;
	(pc) =	sbr.rel @p0 .LBB2_12-.Ltmp6, $4  }
0x7f: {  	[hbm4b:s8+s31] =	stream.linear.scatter [tilespmem:s21], [sflag:$0x5], $0x2700, $0x38;
	[tilespmem:$0xCB80] =	vst v63  }
0x80: {  	_ =	swait.ge [sflag:s14], $0x2700  }
0x81: {  	[sflag:s14] =	ssyncset.done $0x0  }
0x82: {  	[sflag:s14] =	ssyncadd.s32 $0xFFFFD900  }
0x83: {  	s0 =	simm.s32 $0x4E00  }
0x84: {  	s0 =	sand.u32 $0x3FFFFF00, s0  }
0x85: {  	s0 =	sadd.s32 $0x0, s0  }
0x86: {  	v0 =	vld [tilespmem:s0+$0x5000]  }
0x87: {  	v2 =	vld [tilespmem:s0+$0x5080]  }
0x88: {  	v3 =	vld [tilespmem:s0+$0x5010]  }
0x89: {  	v5 =	vld [tilespmem:s0+$0x5090]  }
0x8a: {  	v8 =	vld [tilespmem:s0+$0x5020]  }
0x8b: {  	v9 =	vld [tilespmem:s0+$0x50A0]  }
0x8c: {  	v4 =	vld [tilespmem:s0+$0x5030]  }
0x8d: {  	v1 =	vld [tilespmem:s0+$0x50B0]  }
0x8e: {  	v6 =	vld.idx.msk [tilespmem:v0+s3+$0x0], $0xffff  }
0x8f: {  	v7 =	vld.idx.msk [tilespmem:v2+s17+$0x0], $0xffff  }
0x90: {  	v2 =	vld.idx.msk [tilespmem:v3+s3+$0x0], $0xffff  }
0x91: {  	v5 =	vld.idx.msk [tilespmem:v5+s17+$0x0], $0xffff  }
0x92: {  	s26 =	simm.s32 $0x2700;
	s25 =	simm.s32 $0x0;
	v0 =	vld.idx.msk [tilespmem:v8+s3+$0x0], $0xffff  }
0x93: {  	s28 =	simm.s32 $0x2700;
	s29 =	simm.s32 $0x100;
	s30 =	simm.s32 $0x4E80;
	v3 =	vld.idx.msk [tilespmem:v9+s17+$0x0], $0xffff  }
.LBB2_10:
0x94: {  	s0 =	sshra.s32 s29, $0x2;
	s1 =	sand.u32 $0x3FFFFF00, s30;
	s28 =	sadd.s32 $0x40, s28;
	v4 =	vld.idx.msk [tilespmem:v4+s3+$0x0], $0xffff  }
0x95: {  	v6 =	vadd.f32 v7, v6;
	s1 =	sadd.s32 s0, s1;
	p3 =	slt.u32 s28, $0x2740;
	v1 =	vld.idx.msk [tilespmem:v1+s17+$0x0], $0xffff  }
0x96: {  	v7 =	vld [tilespmem:s1+$0x5000]  }
0x97: {  	s6 =	sand.u32 $0x3FFFFF80, s26;
	v2 =	vadd.f32 v5, v2;
	v8 =	vld [tilespmem:s1+$0x5080];
	[tilespmem:s25+$0xC600] =	vst v6  }
0x98: {  	s6 =	sadd.s32 s25, s6;
	s25 =	smov.u32 s0;
	v5 =	vld [tilespmem:s1+$0x5010]  }
0x99: {  	v0 =	vadd.f32 v3, v0;
	v9 =	vld [tilespmem:s1+$0x5090];
	[tilespmem:s6+$0x9F10] =	vst v2  }
0x9a: {  	v3 =	vld [tilespmem:s1+$0x5020]  }
0x9b: {  	v10 =	vld [tilespmem:s1+$0x50A0];
	[tilespmem:s6+$0x9F20] =	vst v0;
	v0 =	vadd.f32 v1, v4  }
0x9c: {  	v4 =	vld [tilespmem:s1+$0x5030]  }
0x9d: {  	v1 =	vld [tilespmem:s1+$0x50B0];
	[tilespmem:s6+$0x9F30] =	vst v0  }
0x9e: {  	v6 =	vld.idx.msk [tilespmem:v7+s3+$0x0], $0xffff  }
.Ltmp7:
0x9f: {  	v7 =	vld.idx.msk [tilespmem:v8+s17+$0x0], $0xffff;
	(pc) =	sbr.rel @p3 .LBB2_10-.Ltmp7, $4  }
0xa0: {  	v2 =	vld.idx.msk [tilespmem:v5+s3+$0x0], $0xffff  }
0xa1: {  	v5 =	vld.idx.msk [tilespmem:v9+s17+$0x0], $0xffff  }
0xa2: {  	v0 =	vld.idx.msk [tilespmem:v3+s3+$0x0], $0xffff  }
0xa3: {  	s29 =	sadd.s32 $0x100, s29;
	s30 =	sadd.s32 $0x80, s30;
	s26 =	sadd.s32 $0x40, s26;
	v3 =	vld.idx.msk [tilespmem:v10+s17+$0x0], $0xffff  }
.Ltmp8:
0xa4: {  	_ = 	snop;
	(pc) =	sbr.rel .LBB2_11-.Ltmp8, $1  }
0xa5: {  	_ =	sdelay $0x3  }
.LBB2_13:
0xa6: {  	_ =	sfence.sel $0x180000  }
0xa7: {  	[bflag:$0x0] =	sbarrier.arrive $0xFFFF  }
0xa8: {  	_ =	strace $0x90000047  }
0xa9: {  	[bflag:$0x2] =	sbarrier.arrive $0xFFFF  }
0xaa: {  	s0 =	rddreg [dreg:$0x4]  }
0xab: {  	s0 =	sadd.s32 @!p2 $0x100000, s0  }
0xac: {  	[sflag:s0] =	ssyncadd.tile.s32 @!p2 $0x1;
	_ =	shalt  }
.Lfunc_end2:
_tile_overlayer_lowered:
.L_overlay_start_2:
0xad: {  	(tag) =	ssettag $0x2  }
0xae: {  	s0 =	rddreg [dreg:$0x0];
	s2 =	stileid.u32  }
0xaf: {  	s1 =	rddreg [dreg:$0x1];
	p0 =	sne.s32 s2, $0x0  }
0xb0: {  	s3 =	rddreg [dreg:$0x2];
	[bflag:$0x3] =	sbarrier.arrive $0xFFFF;
	s2 =	simm.s32 @!p0 $0x1C05  }
0xb1: {  	[timem:s3], [sflag:s2] =	dma.local @!p0 [hbm:s0], s1  }
0xb2: {  	s0 =	simm.s32 @!p0 $0x5  }
0xb3: {  	_ =	swait.ge @!p0 [sflag:s0], s1  }
0xb4: {  	s1 =	ssub.s32 @!p0 $0x0, s1;
	[sflag:s0] =	ssyncset.done @!p0 $0x0  }
0xb5: {  	[sflag:s0] =	ssyncadd.s32 @!p0 s1  }
0xb6: {  	[bflag:$0x3] =	sbarrier.arrive $0xFFFF  }
0xb7: {  	_ =	shalt  }

</sc_bundles>
